<compile_context>
chip_gen: v7x
topology: tpu7x:2x2x1
jax: 0.10.2.dev20260603
libtpu: 0.0.44.dev20260713+nightly
codegen_flags: <defaults>
</compile_context>

<pallas_src>
import functools

import jax
import jax.numpy as jnp
from jax import lax
from jax.experimental import pallas as pl
from jax.experimental.pallas import tpu as pltpu
from jax.experimental.pallas import tpu_sc as plsc

V = 1_000_000
VPAD = 1_048_576
NC, NS = 2, 16
NW = NC * NS
STEPS = 10
CHUNK = 10_240
NBUF = 4
SLICE = VPAD // NS
ZWORDS = 8192


def _sc_hist(x_r):
    mesh = plsc.VectorSubcoreMesh(core_axis_name="c", subcore_axis_name="s")

    @functools.partial(
        pl.kernel,
        mesh=mesh,
        out_type=jax.ShapeDtypeStruct((NC * VPAD,), jnp.float32),
        scratch_types=[
            pltpu.VMEM((CHUNK,), jnp.int32),
            pltpu.VMEM((CHUNK,), jnp.int32),
            pltpu.VMEM((CHUNK,), jnp.int32),
            pltpu.VMEM((CHUNK,), jnp.int32),
            pltpu.VMEM((CHUNK,), jnp.float32),
            pltpu.VMEM((ZWORDS,), jnp.float32),
            pltpu.VMEM_SHARED((VPAD,), jnp.float32),
            pltpu.SemaphoreType.DMA,
            pltpu.SemaphoreType.DMA,
            pltpu.SemaphoreType.DMA,
            pltpu.SemaphoreType.DMA,
            pltpu.SemaphoreType.DMA,
            pltpu.SemaphoreType.DMA,
            pltpu.SemaphoreType.DMA,
            pltpu.SemaphoreType.DMA,
        ],
    )
    def body(x_hbm, out_hbm, idx0, idx1, idx2, idx3, ones_v, zbuf, hist,
             lsem0, lsem1, lsem2, lsem3, ssem0, ssem1, ssem2, zsem):
        c = lax.axis_index("c")
        s = lax.axis_index("s")
        wid = s * NC + c
        bufs = [idx0, idx1, idx2, idx3]
        lsems = [lsem0, lsem1, lsem2, lsem3]
        ssems = [ssem0, ssem1, ssem2]

        def off(t):
            return (wid * STEPS + t) * CHUNK

        def load(t):
            return pltpu.async_copy(
                x_hbm.at[pl.ds(off(t), CHUNK)], bufs[t % NBUF],
                lsems[t % NBUF])

        loads = {t: load(t) for t in range(min(NBUF, STEPS))}
        scats = {}

        def fill_z(i, carry):
            zbuf[pl.ds(i * 16, 16)] = jnp.zeros((16,), jnp.float32)
            return carry

        lax.fori_loop(0, ZWORDS // 16, fill_z, 0)

        base = s * SLICE
        zcps = [
            pltpu.async_copy(zbuf, hist.at[pl.ds(base + j * ZWORDS, ZWORDS)],
                             zsem)
            for j in range(SLICE // ZWORDS)
        ]

        def fill_o(i, carry):
            ones_v[pl.ds(i * 16, 16)] = jnp.ones((16,), jnp.float32)
            return carry

        lax.fori_loop(0, CHUNK // 16, fill_o, 0)

        for cp in zcps:
            cp.wait()
        plsc.subcore_barrier()

        for t in range(STEPS):
            loads[t].wait()
            if t >= 3:
                scats[t - 3].wait()
            scats[t] = pltpu.async_copy(
                ones_v, hist.at[bufs[t % NBUF]], ssems[t % 3], add=True)
            if t + 1 >= NBUF and t + 1 < STEPS:
                loads[t + 1] = load(t + 1)
        for t in (STEPS - 3, STEPS - 2, STEPS - 1):
            scats[t].wait()
        plsc.subcore_barrier()

        pltpu.sync_copy(hist.at[pl.ds(base, SLICE)],
                        out_hbm.at[pl.ds(c * VPAD + base, SLICE)])

    return body(x_r)


def _merge(partials, counts):
    grid = 2
    rows = VPAD // 128 // grid
    blk = rows * 128

    def body(p_ref, t_ref, o_ref):
        o_ref[...] = (p_ref[0] + p_ref[1]).reshape(blk) + t_ref[...]

    return pl.pallas_call(
        body,
        grid=(grid,),
        in_specs=[
            pl.BlockSpec((NC, rows, 128), lambda i: (0, i, 0)),
            pl.BlockSpec((blk,), lambda i: (i,)),
        ],
        out_specs=pl.BlockSpec((blk,), lambda i: (i,)),
        out_shape=jax.ShapeDtypeStruct((V,), jnp.float32),
    )(partials, counts)


def kernel(x, training_embedding_counts):
    partials = _sc_hist(x.reshape(-1))
    merged = _merge(partials.reshape(NC, VPAD // 128, 128),
                    training_embedding_counts)
    return merged

# --- scband reference (transcript-rebuilt; emitter-appended) ---
"""Pipeline reference for scband-embedding-counter-49143015801347 (READ-ONLY COPY).

The authoritative reference and input builder live on the scoring server;
editing this copy changes nothing except your own understanding.
"""

import jax, jax.numpy as jnp
import numpy as np

EMBEDDING_SIZE = 1000000

def setup_inputs(seed: int = 0) -> dict:
    key = jax.random.key(seed)
    k1, k2 = jax.random.split(key)
    x = jax.random.randint(k1, (16384, 200), 0, EMBEDDING_SIZE, dtype=jnp.int64 if jax.config.jax_enable_x64 else jnp.int32)
    training_embedding_counts = jnp.zeros((EMBEDDING_SIZE,), dtype=jnp.float32)
    return {"x": x, "training_embedding_counts": training_embedding_counts}

def reference(x, training_embedding_counts):
    # Faithful translation of EmbeddingCounter.forward in training mode:
    #   training_embedding_counts += torch.bincount(x.flatten(), minlength=embedding_size)
    # Returns the updated counts buffer (torch mutates in place; we return the new value).
    flat = x.reshape(-1)
    counts = jnp.bincount(flat, length=EMBEDDING_SIZE)
    updated = training_embedding_counts + counts.astype(training_embedding_counts.dtype)
    return updated

if __name__ == "__main__":
    import jax
    _d = setup_inputs()
    print(jax.jit(kernel)(*tuple(_d.values())))

</pallas_src>

<mosaic_0001>
#map = affine_map<(d0, d1) -> (0)>
module attributes {stable_mosaic.version = 14 : i64} {
  func.func @body(%arg0: i32, %arg1: i32, %arg2: memref<3276800xi32, #tpu.memory_space<hbm>>, %arg3: memref<2097152xf32, #tpu.memory_space<hbm>>, %arg4: memref<10240xi32, #tpu.memory_space<vmem>>, %arg5: memref<10240xi32, #tpu.memory_space<vmem>>, %arg6: memref<10240xi32, #tpu.memory_space<vmem>>, %arg7: memref<10240xi32, #tpu.memory_space<vmem>>, %arg8: memref<10240xf32, #tpu.memory_space<vmem>>, %arg9: memref<8192xf32, #tpu.memory_space<vmem>>, %arg10: memref<1048576xf32, #tpu.memory_space<vmem_shared>>, %arg11: memref<!tpu.dma_semaphore, #tpu.memory_space<semaphore_mem>>, %arg12: memref<!tpu.dma_semaphore, #tpu.memory_space<semaphore_mem>>, %arg13: memref<!tpu.dma_semaphore, #tpu.memory_space<semaphore_mem>>, %arg14: memref<!tpu.dma_semaphore, #tpu.memory_space<semaphore_mem>>, %arg15: memref<!tpu.dma_semaphore, #tpu.memory_space<semaphore_mem>>, %arg16: memref<!tpu.dma_semaphore, #tpu.memory_space<semaphore_mem>>, %arg17: memref<!tpu.dma_semaphore, #tpu.memory_space<semaphore_mem>>, %arg18: memref<!tpu.dma_semaphore, #tpu.memory_space<semaphore_mem>>) attributes {dimension_semantics = [#tpu.dimension_semantics<core_parallel>, #tpu.dimension_semantics<subcore_parallel>], iteration_bounds = array<i64: 2, 16>, scalar_prefetch = 0 : i64, scratch_operands = 15 : i64, tpu.core_type = #tpu.core_type<sc_vector_subcore>, window_params = [{transform_indices = #map}, {transform_indices = #map}]} {
    %mul3A = arith.constant 2 : i32
    %mul3A_0 = arith.muli %arg1, %mul3A : i32
    %add3A = arith.addi %mul3A_0, %arg0 : i32
    %mul3A_1 = arith.constant 10 : i32
    %mul3A_2 = arith.muli %add3A, %mul3A_1 : i32
    %add3A_3 = arith.constant 0 : i32
    %add3A_4 = arith.addi %mul3A_2, %add3A_3 : i32
    %mul3A_5 = arith.constant 10240 : i32
    %mul3A_6 = arith.muli %add3A_4, %mul3A_5 : i32
    %dma_start3A = tpu.memref_slice %arg2[%mul3A_6] : memref<3276800xi32, #tpu.memory_space<hbm>> -> memref<10240xi32, #tpu.memory_space<hbm>>
    %dma_start3A_7 = tpu.memref_slice %arg2[%mul3A_6] : memref<3276800xi32, #tpu.memory_space<hbm>> -> memref<10240xi32, #tpu.memory_space<hbm>>
    tpu.enqueue_dma source(%dma_start3A_7 : memref<10240xi32, #tpu.memory_space<hbm>>) target(%arg4 : memref<10240xi32, #tpu.memory_space<vmem>>) target_semaphore(%arg11 : memref<!tpu.dma_semaphore, #tpu.memory_space<semaphore_mem>>)
    %mul3A_8 = arith.constant 10 : i32
    %mul3A_9 = arith.muli %add3A, %mul3A_8 : i32
    %add3A_10 = arith.constant 1 : i32
    %add3A_11 = arith.addi %mul3A_9, %add3A_10 : i32
    %mul3A_12 = arith.constant 10240 : i32
    %mul3A_13 = arith.muli %add3A_11, %mul3A_12 : i32
    %dma_start3A_14 = tpu.memref_slice %arg2[%mul3A_13] : memref<3276800xi32, #tpu.memory_space<hbm>> -> memref<10240xi32, #tpu.memory_space<hbm>>
    %dma_start3A_15 = tpu.memref_slice %arg2[%mul3A_13] : memref<3276800xi32, #tpu.memory_space<hbm>> -> memref<10240xi32, #tpu.memory_space<hbm>>
    tpu.enqueue_dma source(%dma_start3A_15 : memref<10240xi32, #tpu.memory_space<hbm>>) target(%arg5 : memref<10240xi32, #tpu.memory_space<vmem>>) target_semaphore(%arg12 : memref<!tpu.dma_semaphore, #tpu.memory_space<semaphore_mem>>)
    %mul3A_16 = arith.constant 10 : i32
    %mul3A_17 = arith.muli %add3A, %mul3A_16 : i32
    %add3A_18 = arith.constant 2 : i32
    %add3A_19 = arith.addi %mul3A_17, %add3A_18 : i32
    %mul3A_20 = arith.constant 10240 : i32
    %mul3A_21 = arith.muli %add3A_19, %mul3A_20 : i32
    %dma_start3A_22 = tpu.memref_slice %arg2[%mul3A_21] : memref<3276800xi32, #tpu.memory_space<hbm>> -> memref<10240xi32, #tpu.memory_space<hbm>>
    %dma_start3A_23 = tpu.memref_slice %arg2[%mul3A_21] : memref<3276800xi32, #tpu.memory_space<hbm>> -> memref<10240xi32, #tpu.memory_space<hbm>>
    tpu.enqueue_dma source(%dma_start3A_23 : memref<10240xi32, #tpu.memory_space<hbm>>) target(%arg6 : memref<10240xi32, #tpu.memory_space<vmem>>) target_semaphore(%arg13 : memref<!tpu.dma_semaphore, #tpu.memory_space<semaphore_mem>>)
    %mul3A_24 = arith.constant 10 : i32
    %mul3A_25 = arith.muli %add3A, %mul3A_24 : i32
    %add3A_26 = arith.constant 3 : i32
    %add3A_27 = arith.addi %mul3A_25, %add3A_26 : i32
    %mul3A_28 = arith.constant 10240 : i32
    %mul3A_29 = arith.muli %add3A_27, %mul3A_28 : i32
    %dma_start3A_30 = tpu.memref_slice %arg2[%mul3A_29] : memref<3276800xi32, #tpu.memory_space<hbm>> -> memref<10240xi32, #tpu.memory_space<hbm>>
    %dma_start3A_31 = tpu.memref_slice %arg2[%mul3A_29] : memref<3276800xi32, #tpu.memory_space<hbm>> -> memref<10240xi32, #tpu.memory_space<hbm>>
    tpu.enqueue_dma source(%dma_start3A_31 : memref<10240xi32, #tpu.memory_space<hbm>>) target(%arg7 : memref<10240xi32, #tpu.memory_space<vmem>>) target_semaphore(%arg14 : memref<!tpu.dma_semaphore, #tpu.memory_space<semaphore_mem>>)
    %scan3A = arith.constant 0 : i32
    %scan3A_32 = arith.constant 0 : i32
    %scan3A_33 = arith.constant 512 : i32
    %scan3A_34 = arith.addi %scan3A_32, %scan3A_33 : i32
    %scan3A_35 = arith.constant 1 : i32
    scf.for %scan3A_204 = %scan3A_32 to %scan3A_34 step %scan3A_35  : i32 {
      %broadcast_in_dim3A = arith.constant 0.000000e+00 : f32
      %broadcast_in_dim3A_205 = vector.broadcast %broadcast_in_dim3A : f32 to vector<16xf32>
      %mul3A_206 = arith.constant 16 : i32
      %mul3A_207 = arith.muli %scan3A_204, %mul3A_206 : i32
      %swap3A = arith.index_cast %mul3A_207 : i32 to index
      %swap3A_208 = tpu.vector_load %arg9[%swap3A] {strides = array<i32>} : memref<8192xf32, #tpu.memory_space<vmem>>, vector<16xf32>,
      %swap3A_209 = vector.shape_cast %swap3A_208 : vector<16xf32> to vector<16xf32>
      %swap3A_210 = vector.shape_cast %broadcast_in_dim3A_205 : vector<16xf32> to vector<16xf32>
      tpu.vector_store %arg9[%swap3A], %swap3A_210 {strides = array<i32>} : memref<8192xf32, #tpu.memory_space<vmem>>, vector<16xf32>,
    }
    %scan3A_36 = arith.constant 512 : i32
    %mul3A_37 = arith.constant 65536 : i32
    %mul3A_38 = arith.muli %arg1, %mul3A_37 : i32
    %add3A_39 = arith.constant 0 : i32
    %add3A_40 = arith.addi %mul3A_38, %add3A_39 : i32
    %dma_start3A_41 = tpu.memref_slice %arg10[%add3A_40] : memref<1048576xf32, #tpu.memory_space<vmem_shared>> -> memref<8192xf32, #tpu.memory_space<vmem_shared>>
    %dma_start3A_42 = tpu.memref_slice %arg10[%add3A_40] : memref<1048576xf32, #tpu.memory_space<vmem_shared>> -> memref<8192xf32, #tpu.memory_space<vmem_shared>>
    tpu.enqueue_dma source(%arg9 : memref<8192xf32, #tpu.memory_space<vmem>>) target(%dma_start3A_42 : memref<8192xf32, #tpu.memory_space<vmem_shared>>) target_semaphore(%arg18 : memref<!tpu.dma_semaphore, #tpu.memory_space<semaphore_mem>>)
    %add3A_43 = arith.constant 8192 : i32
    %add3A_44 = arith.addi %mul3A_38, %add3A_43 : i32
    %dma_start3A_45 = tpu.memref_slice %arg10[%add3A_44] : memref<1048576xf32, #tpu.memory_space<vmem_shared>> -> memref<8192xf32, #tpu.memory_space<vmem_shared>>
    %dma_start3A_46 = tpu.memref_slice %arg10[%add3A_44] : memref<1048576xf32, #tpu.memory_space<vmem_shared>> -> memref<8192xf32, #tpu.memory_space<vmem_shared>>
    tpu.enqueue_dma source(%arg9 : memref<8192xf32, #tpu.memory_space<vmem>>) target(%dma_start3A_46 : memref<8192xf32, #tpu.memory_space<vmem_shared>>) target_semaphore(%arg18 : memref<!tpu.dma_semaphore, #tpu.memory_space<semaphore_mem>>)
    %add3A_47 = arith.constant 16384 : i32
    %add3A_48 = arith.addi %mul3A_38, %add3A_47 : i32
    %dma_start3A_49 = tpu.memref_slice %arg10[%add3A_48] : memref<1048576xf32, #tpu.memory_space<vmem_shared>> -> memref<8192xf32, #tpu.memory_space<vmem_shared>>
    %dma_start3A_50 = tpu.memref_slice %arg10[%add3A_48] : memref<1048576xf32, #tpu.memory_space<vmem_shared>> -> memref<8192xf32, #tpu.memory_space<vmem_shared>>
    tpu.enqueue_dma source(%arg9 : memref<8192xf32, #tpu.memory_space<vmem>>) target(%dma_start3A_50 : memref<8192xf32, #tpu.memory_space<vmem_shared>>) target_semaphore(%arg18 : memref<!tpu.dma_semaphore, #tpu.memory_space<semaphore_mem>>)
    %add3A_51 = arith.constant 24576 : i32
    %add3A_52 = arith.addi %mul3A_38, %add3A_51 : i32
    %dma_start3A_53 = tpu.memref_slice %arg10[%add3A_52] : memref<1048576xf32, #tpu.memory_space<vmem_shared>> -> memref<8192xf32, #tpu.memory_space<vmem_shared>>
    %dma_start3A_54 = tpu.memref_slice %arg10[%add3A_52] : memref<1048576xf32, #tpu.memory_space<vmem_shared>> -> memref<8192xf32, #tpu.memory_space<vmem_shared>>
    tpu.enqueue_dma source(%arg9 : memref<8192xf32, #tpu.memory_space<vmem>>) target(%dma_start3A_54 : memref<8192xf32, #tpu.memory_space<vmem_shared>>) target_semaphore(%arg18 : memref<!tpu.dma_semaphore, #tpu.memory_space<semaphore_mem>>)
    %add3A_55 = arith.constant 32768 : i32
    %add3A_56 = arith.addi %mul3A_38, %add3A_55 : i32
    %dma_start3A_57 = tpu.memref_slice %arg10[%add3A_56] : memref<1048576xf32, #tpu.memory_space<vmem_shared>> -> memref<8192xf32, #tpu.memory_space<vmem_shared>>
    %dma_start3A_58 = tpu.memref_slice %arg10[%add3A_56] : memref<1048576xf32, #tpu.memory_space<vmem_shared>> -> memref<8192xf32, #tpu.memory_space<vmem_shared>>
    tpu.enqueue_dma source(%arg9 : memref<8192xf32, #tpu.memory_space<vmem>>) target(%dma_start3A_58 : memref<8192xf32, #tpu.memory_space<vmem_shared>>) target_semaphore(%arg18 : memref<!tpu.dma_semaphore, #tpu.memory_space<semaphore_mem>>)
    %add3A_59 = arith.constant 40960 : i32
    %add3A_60 = arith.addi %mul3A_38, %add3A_59 : i32
    %dma_start3A_61 = tpu.memref_slice %arg10[%add3A_60] : memref<1048576xf32, #tpu.memory_space<vmem_shared>> -> memref<8192xf32, #tpu.memory_space<vmem_shared>>
    %dma_start3A_62 = tpu.memref_slice %arg10[%add3A_60] : memref<1048576xf32, #tpu.memory_space<vmem_shared>> -> memref<8192xf32, #tpu.memory_space<vmem_shared>>
    tpu.enqueue_dma source(%arg9 : memref<8192xf32, #tpu.memory_space<vmem>>) target(%dma_start3A_62 : memref<8192xf32, #tpu.memory_space<vmem_shared>>) target_semaphore(%arg18 : memref<!tpu.dma_semaphore, #tpu.memory_space<semaphore_mem>>)
    %add3A_63 = arith.constant 49152 : i32
    %add3A_64 = arith.addi %mul3A_38, %add3A_63 : i32
    %dma_start3A_65 = tpu.memref_slice %arg10[%add3A_64] : memref<1048576xf32, #tpu.memory_space<vmem_shared>> -> memref<8192xf32, #tpu.memory_space<vmem_shared>>
    %dma_start3A_66 = tpu.memref_slice %arg10[%add3A_64] : memref<1048576xf32, #tpu.memory_space<vmem_shared>> -> memref<8192xf32, #tpu.memory_space<vmem_shared>>
    tpu.enqueue_dma source(%arg9 : memref<8192xf32, #tpu.memory_space<vmem>>) target(%dma_start3A_66 : memref<8192xf32, #tpu.memory_space<vmem_shared>>) target_semaphore(%arg18 : memref<!tpu.dma_semaphore, #tpu.memory_space<semaphore_mem>>)
    %add3A_67 = arith.constant 57344 : i32
    %add3A_68 = arith.addi %mul3A_38, %add3A_67 : i32
    %dma_start3A_69 = tpu.memref_slice %arg10[%add3A_68] : memref<1048576xf32, #tpu.memory_space<vmem_shared>> -> memref<8192xf32, #tpu.memory_space<vmem_shared>>
    %dma_start3A_70 = tpu.memref_slice %arg10[%add3A_68] : memref<1048576xf32, #tpu.memory_space<vmem_shared>> -> memref<8192xf32, #tpu.memory_space<vmem_shared>>
    tpu.enqueue_dma source(%arg9 : memref<8192xf32, #tpu.memory_space<vmem>>) target(%dma_start3A_70 : memref<8192xf32, #tpu.memory_space<vmem_shared>>) target_semaphore(%arg18 : memref<!tpu.dma_semaphore, #tpu.memory_space<semaphore_mem>>)
    %scan3A_71 = arith.constant 0 : i32
    %scan3A_72 = arith.constant 0 : i32
    %scan3A_73 = arith.constant 640 : i32
    %scan3A_74 = arith.addi %scan3A_72, %scan3A_73 : i32
    %scan3A_75 = arith.constant 1 : i32
    scf.for %scan3A_204 = %scan3A_72 to %scan3A_74 step %scan3A_75  : i32 {
      %broadcast_in_dim3A = arith.constant 1.000000e+00 : f32
      %broadcast_in_dim3A_205 = vector.broadcast %broadcast_in_dim3A : f32 to vector<16xf32>
      %mul3A_206 = arith.constant 16 : i32
      %mul3A_207 = arith.muli %scan3A_204, %mul3A_206 : i32
      %swap3A = arith.index_cast %mul3A_207 : i32 to index
      %swap3A_208 = tpu.vector_load %arg8[%swap3A] {strides = array<i32>} : memref<10240xf32, #tpu.memory_space<vmem>>, vector<16xf32>,
      %swap3A_209 = vector.shape_cast %swap3A_208 : vector<16xf32> to vector<16xf32>
      %swap3A_210 = vector.shape_cast %broadcast_in_dim3A_205 : vector<16xf32> to vector<16xf32>
      tpu.vector_store %arg8[%swap3A], %swap3A_210 {strides = array<i32>} : memref<10240xf32, #tpu.memory_space<vmem>>, vector<16xf32>,
    }
    %scan3A_76 = arith.constant 640 : i32
    %dma_wait3A = tpu.memref_slice %arg10[%add3A_40] : memref<1048576xf32, #tpu.memory_space<vmem_shared>> -> memref<8192xf32, #tpu.memory_space<vmem_shared>>
    %dma_wait3A_77 = tpu.memref_slice %arg10[%add3A_40] : memref<1048576xf32, #tpu.memory_space<vmem_shared>> -> memref<8192xf32, #tpu.memory_space<vmem_shared>>
    tpu.wait_dma2 semaphore(%arg18 : memref<!tpu.dma_semaphore, #tpu.memory_space<semaphore_mem>>) src(%arg9 : memref<8192xf32, #tpu.memory_space<vmem>>) dst(%dma_wait3A_77 : memref<8192xf32, #tpu.memory_space<vmem_shared>>)
    %dma_wait3A_78 = tpu.memref_slice %arg10[%add3A_44] : memref<1048576xf32, #tpu.memory_space<vmem_shared>> -> memref<8192xf32, #tpu.memory_space<vmem_shared>>
    %dma_wait3A_79 = tpu.memref_slice %arg10[%add3A_44] : memref<1048576xf32, #tpu.memory_space<vmem_shared>> -> memref<8192xf32, #tpu.memory_space<vmem_shared>>
    tpu.wait_dma2 semaphore(%arg18 : memref<!tpu.dma_semaphore, #tpu.memory_space<semaphore_mem>>) src(%arg9 : memref<8192xf32, #tpu.memory_space<vmem>>) dst(%dma_wait3A_79 : memref<8192xf32, #tpu.memory_space<vmem_shared>>)
    %dma_wait3A_80 = tpu.memref_slice %arg10[%add3A_48] : memref<1048576xf32, #tpu.memory_space<vmem_shared>> -> memref<8192xf32, #tpu.memory_space<vmem_shared>>
    %dma_wait3A_81 = tpu.memref_slice %arg10[%add3A_48] : memref<1048576xf32, #tpu.memory_space<vmem_shared>> -> memref<8192xf32, #tpu.memory_space<vmem_shared>>
    tpu.wait_dma2 semaphore(%arg18 : memref<!tpu.dma_semaphore, #tpu.memory_space<semaphore_mem>>) src(%arg9 : memref<8192xf32, #tpu.memory_space<vmem>>) dst(%dma_wait3A_81 : memref<8192xf32, #tpu.memory_space<vmem_shared>>)
    %dma_wait3A_82 = tpu.memref_slice %arg10[%add3A_52] : memref<1048576xf32, #tpu.memory_space<vmem_shared>> -> memref<8192xf32, #tpu.memory_space<vmem_shared>>
    %dma_wait3A_83 = tpu.memref_slice %arg10[%add3A_52] : memref<1048576xf32, #tpu.memory_space<vmem_shared>> -> memref<8192xf32, #tpu.memory_space<vmem_shared>>
    tpu.wait_dma2 semaphore(%arg18 : memref<!tpu.dma_semaphore, #tpu.memory_space<semaphore_mem>>) src(%arg9 : memref<8192xf32, #tpu.memory_space<vmem>>) dst(%dma_wait3A_83 : memref<8192xf32, #tpu.memory_space<vmem_shared>>)
    %dma_wait3A_84 = tpu.memref_slice %arg10[%add3A_56] : memref<1048576xf32, #tpu.memory_space<vmem_shared>> -> memref<8192xf32, #tpu.memory_space<vmem_shared>>
    %dma_wait3A_85 = tpu.memref_slice %arg10[%add3A_56] : memref<1048576xf32, #tpu.memory_space<vmem_shared>> -> memref<8192xf32, #tpu.memory_space<vmem_shared>>
    tpu.wait_dma2 semaphore(%arg18 : memref<!tpu.dma_semaphore, #tpu.memory_space<semaphore_mem>>) src(%arg9 : memref<8192xf32, #tpu.memory_space<vmem>>) dst(%dma_wait3A_85 : memref<8192xf32, #tpu.memory_space<vmem_shared>>)
    %dma_wait3A_86 = tpu.memref_slice %arg10[%add3A_60] : memref<1048576xf32, #tpu.memory_space<vmem_shared>> -> memref<8192xf32, #tpu.memory_space<vmem_shared>>
    %dma_wait3A_87 = tpu.memref_slice %arg10[%add3A_60] : memref<1048576xf32, #tpu.memory_space<vmem_shared>> -> memref<8192xf32, #tpu.memory_space<vmem_shared>>
    tpu.wait_dma2 semaphore(%arg18 : memref<!tpu.dma_semaphore, #tpu.memory_space<semaphore_mem>>) src(%arg9 : memref<8192xf32, #tpu.memory_space<vmem>>) dst(%dma_wait3A_87 : memref<8192xf32, #tpu.memory_space<vmem_shared>>)
    %dma_wait3A_88 = tpu.memref_slice %arg10[%add3A_64] : memref<1048576xf32, #tpu.memory_space<vmem_shared>> -> memref<8192xf32, #tpu.memory_space<vmem_shared>>
    %dma_wait3A_89 = tpu.memref_slice %arg10[%add3A_64] : memref<1048576xf32, #tpu.memory_space<vmem_shared>> -> memref<8192xf32, #tpu.memory_space<vmem_shared>>
    tpu.wait_dma2 semaphore(%arg18 : memref<!tpu.dma_semaphore, #tpu.memory_space<semaphore_mem>>) src(%arg9 : memref<8192xf32, #tpu.memory_space<vmem>>) dst(%dma_wait3A_89 : memref<8192xf32, #tpu.memory_space<vmem_shared>>)
    %dma_wait3A_90 = tpu.memref_slice %arg10[%add3A_68] : memref<1048576xf32, #tpu.memory_space<vmem_shared>> -> memref<8192xf32, #tpu.memory_space<vmem_shared>>
    %dma_wait3A_91 = tpu.memref_slice %arg10[%add3A_68] : memref<1048576xf32, #tpu.memory_space<vmem_shared>> -> memref<8192xf32, #tpu.memory_space<vmem_shared>>
    tpu.wait_dma2 semaphore(%arg18 : memref<!tpu.dma_semaphore, #tpu.memory_space<semaphore_mem>>) src(%arg9 : memref<8192xf32, #tpu.memory_space<vmem>>) dst(%dma_wait3A_91 : memref<8192xf32, #tpu.memory_space<vmem_shared>>)
    %barrier3A = arith.constant 0 : index
    tpu.barrier barrier_id(%barrier3A)
    %dma_wait3A_92 = tpu.memref_slice %arg2[%mul3A_6] : memref<3276800xi32, #tpu.memory_space<hbm>> -> memref<10240xi32, #tpu.memory_space<hbm>>
    %dma_wait3A_93 = tpu.memref_slice %arg2[%mul3A_6] : memref<3276800xi32, #tpu.memory_space<hbm>> -> memref<10240xi32, #tpu.memory_space<hbm>>
    tpu.wait_dma2 semaphore(%arg11 : memref<!tpu.dma_semaphore, #tpu.memory_space<semaphore_mem>>) src(%dma_wait3A_93 : memref<10240xi32, #tpu.memory_space<hbm>>) dst(%arg4 : memref<10240xi32, #tpu.memory_space<vmem>>)
    %dma_start3A_94 = arith.constant 0 : i32
    %dma_start3A_95 = tpu.memref_slice %arg10[%dma_start3A_94] : memref<1048576xf32, #tpu.memory_space<vmem_shared>> -> memref<1048576xf32, #tpu.memory_space<vmem_shared>>
    tpu.enqueue_indirect_dma source(%arg8 : memref<10240xf32, #tpu.memory_space<vmem>>) target(%dma_start3A_95 : memref<1048576xf32, #tpu.memory_space<vmem_shared>>) offsets(%arg4 : memref<10240xi32, #tpu.memory_space<vmem>>) semaphore(%arg15 : memref<!tpu.dma_semaphore, #tpu.memory_space<semaphore_mem>>) {add = true}
    %dma_wait3A_96 = tpu.memref_slice %arg2[%mul3A_13] : memref<3276800xi32, #tpu.memory_space<hbm>> -> memref<10240xi32, #tpu.memory_space<hbm>>
    %dma_wait3A_97 = tpu.memref_slice %arg2[%mul3A_13] : memref<3276800xi32, #tpu.memory_space<hbm>> -> memref<10240xi32, #tpu.memory_space<hbm>>
    tpu.wait_dma2 semaphore(%arg12 : memref<!tpu.dma_semaphore, #tpu.memory_space<semaphore_mem>>) src(%dma_wait3A_97 : memref<10240xi32, #tpu.memory_space<hbm>>) dst(%arg5 : memref<10240xi32, #tpu.memory_space<vmem>>)
    %dma_start3A_98 = arith.constant 0 : i32
    %dma_start3A_99 = tpu.memref_slice %arg10[%dma_start3A_98] : memref<1048576xf32, #tpu.memory_space<vmem_shared>> -> memref<1048576xf32, #tpu.memory_space<vmem_shared>>
    tpu.enqueue_indirect_dma source(%arg8 : memref<10240xf32, #tpu.memory_space<vmem>>) target(%dma_start3A_99 : memref<1048576xf32, #tpu.memory_space<vmem_shared>>) offsets(%arg5 : memref<10240xi32, #tpu.memory_space<vmem>>) semaphore(%arg16 : memref<!tpu.dma_semaphore, #tpu.memory_space<semaphore_mem>>) {add = true}
    %dma_wait3A_100 = tpu.memref_slice %arg2[%mul3A_21] : memref<3276800xi32, #tpu.memory_space<hbm>> -> memref<10240xi32, #tpu.memory_space<hbm>>
    %dma_wait3A_101 = tpu.memref_slice %arg2[%mul3A_21] : memref<3276800xi32, #tpu.memory_space<hbm>> -> memref<10240xi32, #tpu.memory_space<hbm>>
    tpu.wait_dma2 semaphore(%arg13 : memref<!tpu.dma_semaphore, #tpu.memory_space<semaphore_mem>>) src(%dma_wait3A_101 : memref<10240xi32, #tpu.memory_space<hbm>>) dst(%arg6 : memref<10240xi32, #tpu.memory_space<vmem>>)
    %dma_start3A_102 = arith.constant 0 : i32
    %dma_start3A_103 = tpu.memref_slice %arg10[%dma_start3A_102] : memref<1048576xf32, #tpu.memory_space<vmem_shared>> -> memref<1048576xf32, #tpu.memory_space<vmem_shared>>
    tpu.enqueue_indirect_dma source(%arg8 : memref<10240xf32, #tpu.memory_space<vmem>>) target(%dma_start3A_103 : memref<1048576xf32, #tpu.memory_space<vmem_shared>>) offsets(%arg6 : memref<10240xi32, #tpu.memory_space<vmem>>) semaphore(%arg17 : memref<!tpu.dma_semaphore, #tpu.memory_space<semaphore_mem>>) {add = true}
    %dma_wait3A_104 = tpu.memref_slice %arg2[%mul3A_29] : memref<3276800xi32, #tpu.memory_space<hbm>> -> memref<10240xi32, #tpu.memory_space<hbm>>
    %dma_wait3A_105 = tpu.memref_slice %arg2[%mul3A_29] : memref<3276800xi32, #tpu.memory_space<hbm>> -> memref<10240xi32, #tpu.memory_space<hbm>>
    tpu.wait_dma2 semaphore(%arg14 : memref<!tpu.dma_semaphore, #tpu.memory_space<semaphore_mem>>) src(%dma_wait3A_105 : memref<10240xi32, #tpu.memory_space<hbm>>) dst(%arg7 : memref<10240xi32, #tpu.memory_space<vmem>>)
    %dma_wait3A_106 = arith.constant 0 : i32
    %dma_wait3A_107 = tpu.memref_slice %arg10[%dma_wait3A_106] : memref<1048576xf32, #tpu.memory_space<vmem_shared>> -> memref<1048576xf32, #tpu.memory_space<vmem_shared>>
    tpu.wait_indirect_dma semaphore(%arg15 : memref<!tpu.dma_semaphore, #tpu.memory_space<semaphore_mem>>) src(%arg8 : memref<10240xf32, #tpu.memory_space<vmem>>) dst(%dma_wait3A_107 : memref<1048576xf32, #tpu.memory_space<vmem_shared>>)
    %dma_start3A_108 = arith.constant 0 : i32
    %dma_start3A_109 = tpu.memref_slice %arg10[%dma_start3A_108] : memref<1048576xf32, #tpu.memory_space<vmem_shared>> -> memref<1048576xf32, #tpu.memory_space<vmem_shared>>
    tpu.enqueue_indirect_dma source(%arg8 : memref<10240xf32, #tpu.memory_space<vmem>>) target(%dma_start3A_109 : memref<1048576xf32, #tpu.memory_space<vmem_shared>>) offsets(%arg7 : memref<10240xi32, #tpu.memory_space<vmem>>) semaphore(%arg15 : memref<!tpu.dma_semaphore, #tpu.memory_space<semaphore_mem>>) {add = true}
    %mul3A_110 = arith.constant 10 : i32
    %mul3A_111 = arith.muli %add3A, %mul3A_110 : i32
    %add3A_112 = arith.constant 4 : i32
    %add3A_113 = arith.addi %mul3A_111, %add3A_112 : i32
    %mul3A_114 = arith.constant 10240 : i32
    %mul3A_115 = arith.muli %add3A_113, %mul3A_114 : i32
    %dma_start3A_116 = tpu.memref_slice %arg2[%mul3A_115] : memref<3276800xi32, #tpu.memory_space<hbm>> -> memref<10240xi32, #tpu.memory_space<hbm>>
    %dma_start3A_117 = tpu.memref_slice %arg2[%mul3A_115] : memref<3276800xi32, #tpu.memory_space<hbm>> -> memref<10240xi32, #tpu.memory_space<hbm>>
    tpu.enqueue_dma source(%dma_start3A_117 : memref<10240xi32, #tpu.memory_space<hbm>>) target(%arg4 : memref<10240xi32, #tpu.memory_space<vmem>>) target_semaphore(%arg11 : memref<!tpu.dma_semaphore, #tpu.memory_space<semaphore_mem>>)
    %dma_wait3A_118 = tpu.memref_slice %arg2[%mul3A_115] : memref<3276800xi32, #tpu.memory_space<hbm>> -> memref<10240xi32, #tpu.memory_space<hbm>>
    %dma_wait3A_119 = tpu.memref_slice %arg2[%mul3A_115] : memref<3276800xi32, #tpu.memory_space<hbm>> -> memref<10240xi32, #tpu.memory_space<hbm>>
    tpu.wait_dma2 semaphore(%arg11 : memref<!tpu.dma_semaphore, #tpu.memory_space<semaphore_mem>>) src(%dma_wait3A_119 : memref<10240xi32, #tpu.memory_space<hbm>>) dst(%arg4 : memref<10240xi32, #tpu.memory_space<vmem>>)
    %dma_wait3A_120 = arith.constant 0 : i32
    %dma_wait3A_121 = tpu.memref_slice %arg10[%dma_wait3A_120] : memref<1048576xf32, #tpu.memory_space<vmem_shared>> -> memref<1048576xf32, #tpu.memory_space<vmem_shared>>
    tpu.wait_indirect_dma semaphore(%arg16 : memref<!tpu.dma_semaphore, #tpu.memory_space<semaphore_mem>>) src(%arg8 : memref<10240xf32, #tpu.memory_space<vmem>>) dst(%dma_wait3A_121 : memref<1048576xf32, #tpu.memory_space<vmem_shared>>)
    %dma_start3A_122 = arith.constant 0 : i32
    %dma_start3A_123 = tpu.memref_slice %arg10[%dma_start3A_122] : memref<1048576xf32, #tpu.memory_space<vmem_shared>> -> memref<1048576xf32, #tpu.memory_space<vmem_shared>>
    tpu.enqueue_indirect_dma source(%arg8 : memref<10240xf32, #tpu.memory_space<vmem>>) target(%dma_start3A_123 : memref<1048576xf32, #tpu.memory_space<vmem_shared>>) offsets(%arg4 : memref<10240xi32, #tpu.memory_space<vmem>>) semaphore(%arg16 : memref<!tpu.dma_semaphore, #tpu.memory_space<semaphore_mem>>) {add = true}
    %mul3A_124 = arith.constant 10 : i32
    %mul3A_125 = arith.muli %add3A, %mul3A_124 : i32
    %add3A_126 = arith.constant 5 : i32
    %add3A_127 = arith.addi %mul3A_125, %add3A_126 : i32
    %mul3A_128 = arith.constant 10240 : i32
    %mul3A_129 = arith.muli %add3A_127, %mul3A_128 : i32
    %dma_start3A_130 = tpu.memref_slice %arg2[%mul3A_129] : memref<3276800xi32, #tpu.memory_space<hbm>> -> memref<10240xi32, #tpu.memory_space<hbm>>
    %dma_start3A_131 = tpu.memref_slice %arg2[%mul3A_129] : memref<3276800xi32, #tpu.memory_space<hbm>> -> memref<10240xi32, #tpu.memory_space<hbm>>
    tpu.enqueue_dma source(%dma_start3A_131 : memref<10240xi32, #tpu.memory_space<hbm>>) target(%arg5 : memref<10240xi32, #tpu.memory_space<vmem>>) target_semaphore(%arg12 : memref<!tpu.dma_semaphore, #tpu.memory_space<semaphore_mem>>)
    %dma_wait3A_132 = tpu.memref_slice %arg2[%mul3A_129] : memref<3276800xi32, #tpu.memory_space<hbm>> -> memref<10240xi32, #tpu.memory_space<hbm>>
    %dma_wait3A_133 = tpu.memref_slice %arg2[%mul3A_129] : memref<3276800xi32, #tpu.memory_space<hbm>> -> memref<10240xi32, #tpu.memory_space<hbm>>
    tpu.wait_dma2 semaphore(%arg12 : memref<!tpu.dma_semaphore, #tpu.memory_space<semaphore_mem>>) src(%dma_wait3A_133 : memref<10240xi32, #tpu.memory_space<hbm>>) dst(%arg5 : memref<10240xi32, #tpu.memory_space<vmem>>)
    %dma_wait3A_134 = arith.constant 0 : i32
    %dma_wait3A_135 = tpu.memref_slice %arg10[%dma_wait3A_134] : memref<1048576xf32, #tpu.memory_space<vmem_shared>> -> memref<1048576xf32, #tpu.memory_space<vmem_shared>>
    tpu.wait_indirect_dma semaphore(%arg17 : memref<!tpu.dma_semaphore, #tpu.memory_space<semaphore_mem>>) src(%arg8 : memref<10240xf32, #tpu.memory_space<vmem>>) dst(%dma_wait3A_135 : memref<1048576xf32, #tpu.memory_space<vmem_shared>>)
    %dma_start3A_136 = arith.constant 0 : i32
    %dma_start3A_137 = tpu.memref_slice %arg10[%dma_start3A_136] : memref<1048576xf32, #tpu.memory_space<vmem_shared>> -> memref<1048576xf32, #tpu.memory_space<vmem_shared>>
    tpu.enqueue_indirect_dma source(%arg8 : memref<10240xf32, #tpu.memory_space<vmem>>) target(%dma_start3A_137 : memref<1048576xf32, #tpu.memory_space<vmem_shared>>) offsets(%arg5 : memref<10240xi32, #tpu.memory_space<vmem>>) semaphore(%arg17 : memref<!tpu.dma_semaphore, #tpu.memory_space<semaphore_mem>>) {add = true}
    %mul3A_138 = arith.constant 10 : i32
    %mul3A_139 = arith.muli %add3A, %mul3A_138 : i32
    %add3A_140 = arith.constant 6 : i32
    %add3A_141 = arith.addi %mul3A_139, %add3A_140 : i32
    %mul3A_142 = arith.constant 10240 : i32
    %mul3A_143 = arith.muli %add3A_141, %mul3A_142 : i32
    %dma_start3A_144 = tpu.memref_slice %arg2[%mul3A_143] : memref<3276800xi32, #tpu.memory_space<hbm>> -> memref<10240xi32, #tpu.memory_space<hbm>>
    %dma_start3A_145 = tpu.memref_slice %arg2[%mul3A_143] : memref<3276800xi32, #tpu.memory_space<hbm>> -> memref<10240xi32, #tpu.memory_space<hbm>>
    tpu.enqueue_dma source(%dma_start3A_145 : memref<10240xi32, #tpu.memory_space<hbm>>) target(%arg6 : memref<10240xi32, #tpu.memory_space<vmem>>) target_semaphore(%arg13 : memref<!tpu.dma_semaphore, #tpu.memory_space<semaphore_mem>>)
    %dma_wait3A_146 = tpu.memref_slice %arg2[%mul3A_143] : memref<3276800xi32, #tpu.memory_space<hbm>> -> memref<10240xi32, #tpu.memory_space<hbm>>
    %dma_wait3A_147 = tpu.memref_slice %arg2[%mul3A_143] : memref<3276800xi32, #tpu.memory_space<hbm>> -> memref<10240xi32, #tpu.memory_space<hbm>>
    tpu.wait_dma2 semaphore(%arg13 : memref<!tpu.dma_semaphore, #tpu.memory_space<semaphore_mem>>) src(%dma_wait3A_147 : memref<10240xi32, #tpu.memory_space<hbm>>) dst(%arg6 : memref<10240xi32, #tpu.memory_space<vmem>>)
    %dma_wait3A_148 = arith.constant 0 : i32
    %dma_wait3A_149 = tpu.memref_slice %arg10[%dma_wait3A_148] : memref<1048576xf32, #tpu.memory_space<vmem_shared>> -> memref<1048576xf32, #tpu.memory_space<vmem_shared>>
    tpu.wait_indirect_dma semaphore(%arg15 : memref<!tpu.dma_semaphore, #tpu.memory_space<semaphore_mem>>) src(%arg8 : memref<10240xf32, #tpu.memory_space<vmem>>) dst(%dma_wait3A_149 : memref<1048576xf32, #tpu.memory_space<vmem_shared>>)
    %dma_start3A_150 = arith.constant 0 : i32
    %dma_start3A_151 = tpu.memref_slice %arg10[%dma_start3A_150] : memref<1048576xf32, #tpu.memory_space<vmem_shared>> -> memref<1048576xf32, #tpu.memory_space<vmem_shared>>
    tpu.enqueue_indirect_dma source(%arg8 : memref<10240xf32, #tpu.memory_space<vmem>>) target(%dma_start3A_151 : memref<1048576xf32, #tpu.memory_space<vmem_shared>>) offsets(%arg6 : memref<10240xi32, #tpu.memory_space<vmem>>) semaphore(%arg15 : memref<!tpu.dma_semaphore, #tpu.memory_space<semaphore_mem>>) {add = true}
    %mul3A_152 = arith.constant 10 : i32
    %mul3A_153 = arith.muli %add3A, %mul3A_152 : i32
    %add3A_154 = arith.constant 7 : i32
    %add3A_155 = arith.addi %mul3A_153, %add3A_154 : i32
    %mul3A_156 = arith.constant 10240 : i32
    %mul3A_157 = arith.muli %add3A_155, %mul3A_156 : i32
    %dma_start3A_158 = tpu.memref_slice %arg2[%mul3A_157] : memref<3276800xi32, #tpu.memory_space<hbm>> -> memref<10240xi32, #tpu.memory_space<hbm>>
    %dma_start3A_159 = tpu.memref_slice %arg2[%mul3A_157] : memref<3276800xi32, #tpu.memory_space<hbm>> -> memref<10240xi32, #tpu.memory_space<hbm>>
    tpu.enqueue_dma source(%dma_start3A_159 : memref<10240xi32, #tpu.memory_space<hbm>>) target(%arg7 : memref<10240xi32, #tpu.memory_space<vmem>>) target_semaphore(%arg14 : memref<!tpu.dma_semaphore, #tpu.memory_space<semaphore_mem>>)
    %dma_wait3A_160 = tpu.memref_slice %arg2[%mul3A_157] : memref<3276800xi32, #tpu.memory_space<hbm>> -> memref<10240xi32, #tpu.memory_space<hbm>>
    %dma_wait3A_161 = tpu.memref_slice %arg2[%mul3A_157] : memref<3276800xi32, #tpu.memory_space<hbm>> -> memref<10240xi32, #tpu.memory_space<hbm>>
    tpu.wait_dma2 semaphore(%arg14 : memref<!tpu.dma_semaphore, #tpu.memory_space<semaphore_mem>>) src(%dma_wait3A_161 : memref<10240xi32, #tpu.memory_space<hbm>>) dst(%arg7 : memref<10240xi32, #tpu.memory_space<vmem>>)
    %dma_wait3A_162 = arith.constant 0 : i32
    %dma_wait3A_163 = tpu.memref_slice %arg10[%dma_wait3A_162] : memref<1048576xf32, #tpu.memory_space<vmem_shared>> -> memref<1048576xf32, #tpu.memory_space<vmem_shared>>
    tpu.wait_indirect_dma semaphore(%arg16 : memref<!tpu.dma_semaphore, #tpu.memory_space<semaphore_mem>>) src(%arg8 : memref<10240xf32, #tpu.memory_space<vmem>>) dst(%dma_wait3A_163 : memref<1048576xf32, #tpu.memory_space<vmem_shared>>)
    %dma_start3A_164 = arith.constant 0 : i32
    %dma_start3A_165 = tpu.memref_slice %arg10[%dma_start3A_164] : memref<1048576xf32, #tpu.memory_space<vmem_shared>> -> memref<1048576xf32, #tpu.memory_space<vmem_shared>>
    tpu.enqueue_indirect_dma source(%arg8 : memref<10240xf32, #tpu.memory_space<vmem>>) target(%dma_start3A_165 : memref<1048576xf32, #tpu.memory_space<vmem_shared>>) offsets(%arg7 : memref<10240xi32, #tpu.memory_space<vmem>>) semaphore(%arg16 : memref<!tpu.dma_semaphore, #tpu.memory_space<semaphore_mem>>) {add = true}
    %mul3A_166 = arith.constant 10 : i32
    %mul3A_167 = arith.muli %add3A, %mul3A_166 : i32
    %add3A_168 = arith.constant 8 : i32
    %add3A_169 = arith.addi %mul3A_167, %add3A_168 : i32
    %mul3A_170 = arith.constant 10240 : i32
    %mul3A_171 = arith.muli %add3A_169, %mul3A_170 : i32
    %dma_start3A_172 = tpu.memref_slice %arg2[%mul3A_171] : memref<3276800xi32, #tpu.memory_space<hbm>> -> memref<10240xi32, #tpu.memory_space<hbm>>
    %dma_start3A_173 = tpu.memref_slice %arg2[%mul3A_171] : memref<3276800xi32, #tpu.memory_space<hbm>> -> memref<10240xi32, #tpu.memory_space<hbm>>
    tpu.enqueue_dma source(%dma_start3A_173 : memref<10240xi32, #tpu.memory_space<hbm>>) target(%arg4 : memref<10240xi32, #tpu.memory_space<vmem>>) target_semaphore(%arg11 : memref<!tpu.dma_semaphore, #tpu.memory_space<semaphore_mem>>)
    %dma_wait3A_174 = tpu.memref_slice %arg2[%mul3A_171] : memref<3276800xi32, #tpu.memory_space<hbm>> -> memref<10240xi32, #tpu.memory_space<hbm>>
    %dma_wait3A_175 = tpu.memref_slice %arg2[%mul3A_171] : memref<3276800xi32, #tpu.memory_space<hbm>> -> memref<10240xi32, #tpu.memory_space<hbm>>
    tpu.wait_dma2 semaphore(%arg11 : memref<!tpu.dma_semaphore, #tpu.memory_space<semaphore_mem>>) src(%dma_wait3A_175 : memref<10240xi32, #tpu.memory_space<hbm>>) dst(%arg4 : memref<10240xi32, #tpu.memory_space<vmem>>)
    %dma_wait3A_176 = arith.constant 0 : i32
    %dma_wait3A_177 = tpu.memref_slice %arg10[%dma_wait3A_176] : memref<1048576xf32, #tpu.memory_space<vmem_shared>> -> memref<1048576xf32, #tpu.memory_space<vmem_shared>>
    tpu.wait_indirect_dma semaphore(%arg17 : memref<!tpu.dma_semaphore, #tpu.memory_space<semaphore_mem>>) src(%arg8 : memref<10240xf32, #tpu.memory_space<vmem>>) dst(%dma_wait3A_177 : memref<1048576xf32, #tpu.memory_space<vmem_shared>>)
    %dma_start3A_178 = arith.constant 0 : i32
    %dma_start3A_179 = tpu.memref_slice %arg10[%dma_start3A_178] : memref<1048576xf32, #tpu.memory_space<vmem_shared>> -> memref<1048576xf32, #tpu.memory_space<vmem_shared>>
    tpu.enqueue_indirect_dma source(%arg8 : memref<10240xf32, #tpu.memory_space<vmem>>) target(%dma_start3A_179 : memref<1048576xf32, #tpu.memory_space<vmem_shared>>) offsets(%arg4 : memref<10240xi32, #tpu.memory_space<vmem>>) semaphore(%arg17 : memref<!tpu.dma_semaphore, #tpu.memory_space<semaphore_mem>>) {add = true}
    %mul3A_180 = arith.constant 10 : i32
    %mul3A_181 = arith.muli %add3A, %mul3A_180 : i32
    %add3A_182 = arith.constant 9 : i32
    %add3A_183 = arith.addi %mul3A_181, %add3A_182 : i32
    %mul3A_184 = arith.constant 10240 : i32
    %mul3A_185 = arith.muli %add3A_183, %mul3A_184 : i32
    %dma_start3A_186 = tpu.memref_slice %arg2[%mul3A_185] : memref<3276800xi32, #tpu.memory_space<hbm>> -> memref<10240xi32, #tpu.memory_space<hbm>>
    %dma_start3A_187 = tpu.memref_slice %arg2[%mul3A_185] : memref<3276800xi32, #tpu.memory_space<hbm>> -> memref<10240xi32, #tpu.memory_space<hbm>>
    tpu.enqueue_dma source(%dma_start3A_187 : memref<10240xi32, #tpu.memory_space<hbm>>) target(%arg5 : memref<10240xi32, #tpu.memory_space<vmem>>) target_semaphore(%arg12 : memref<!tpu.dma_semaphore, #tpu.memory_space<semaphore_mem>>)
    %dma_wait3A_188 = tpu.memref_slice %arg2[%mul3A_185] : memref<3276800xi32, #tpu.memory_space<hbm>> -> memref<10240xi32, #tpu.memory_space<hbm>>
    %dma_wait3A_189 = tpu.memref_slice %arg2[%mul3A_185] : memref<3276800xi32, #tpu.memory_space<hbm>> -> memref<10240xi32, #tpu.memory_space<hbm>>
    tpu.wait_dma2 semaphore(%arg12 : memref<!tpu.dma_semaphore, #tpu.memory_space<semaphore_mem>>) src(%dma_wait3A_189 : memref<10240xi32, #tpu.memory_space<hbm>>) dst(%arg5 : memref<10240xi32, #tpu.memory_space<vmem>>)
    %dma_wait3A_190 = arith.constant 0 : i32
    %dma_wait3A_191 = tpu.memref_slice %arg10[%dma_wait3A_190] : memref<1048576xf32, #tpu.memory_space<vmem_shared>> -> memref<1048576xf32, #tpu.memory_space<vmem_shared>>
    tpu.wait_indirect_dma semaphore(%arg15 : memref<!tpu.dma_semaphore, #tpu.memory_space<semaphore_mem>>) src(%arg8 : memref<10240xf32, #tpu.memory_space<vmem>>) dst(%dma_wait3A_191 : memref<1048576xf32, #tpu.memory_space<vmem_shared>>)
    %dma_start3A_192 = arith.constant 0 : i32
    %dma_start3A_193 = tpu.memref_slice %arg10[%dma_start3A_192] : memref<1048576xf32, #tpu.memory_space<vmem_shared>> -> memref<1048576xf32, #tpu.memory_space<vmem_shared>>
    tpu.enqueue_indirect_dma source(%arg8 : memref<10240xf32, #tpu.memory_space<vmem>>) target(%dma_start3A_193 : memref<1048576xf32, #tpu.memory_space<vmem_shared>>) offsets(%arg5 : memref<10240xi32, #tpu.memory_space<vmem>>) semaphore(%arg15 : memref<!tpu.dma_semaphore, #tpu.memory_space<semaphore_mem>>) {add = true}
    %dma_wait3A_194 = arith.constant 0 : i32
    %dma_wait3A_195 = tpu.memref_slice %arg10[%dma_wait3A_194] : memref<1048576xf32, #tpu.memory_space<vmem_shared>> -> memref<1048576xf32, #tpu.memory_space<vmem_shared>>
    tpu.wait_indirect_dma semaphore(%arg16 : memref<!tpu.dma_semaphore, #tpu.memory_space<semaphore_mem>>) src(%arg8 : memref<10240xf32, #tpu.memory_space<vmem>>) dst(%dma_wait3A_195 : memref<1048576xf32, #tpu.memory_space<vmem_shared>>)
    %dma_wait3A_196 = arith.constant 0 : i32
    %dma_wait3A_197 = tpu.memref_slice %arg10[%dma_wait3A_196] : memref<1048576xf32, #tpu.memory_space<vmem_shared>> -> memref<1048576xf32, #tpu.memory_space<vmem_shared>>
    tpu.wait_indirect_dma semaphore(%arg17 : memref<!tpu.dma_semaphore, #tpu.memory_space<semaphore_mem>>) src(%arg8 : memref<10240xf32, #tpu.memory_space<vmem>>) dst(%dma_wait3A_197 : memref<1048576xf32, #tpu.memory_space<vmem_shared>>)
    %dma_wait3A_198 = arith.constant 0 : i32
    %dma_wait3A_199 = tpu.memref_slice %arg10[%dma_wait3A_198] : memref<1048576xf32, #tpu.memory_space<vmem_shared>> -> memref<1048576xf32, #tpu.memory_space<vmem_shared>>
    tpu.wait_indirect_dma semaphore(%arg15 : memref<!tpu.dma_semaphore, #tpu.memory_space<semaphore_mem>>) src(%arg8 : memref<10240xf32, #tpu.memory_space<vmem>>) dst(%dma_wait3A_199 : memref<1048576xf32, #tpu.memory_space<vmem_shared>>)
    %barrier3A_200 = arith.constant 0 : index
    tpu.barrier barrier_id(%barrier3A_200)
    %mul3A_201 = arith.constant 1048576 : i32
    %mul3A_202 = arith.muli %arg0, %mul3A_201 : i32
    %add3A_203 = arith.addi %mul3A_202, %mul3A_38 : i32
    "tpu.region"() ({
      %run_scoped3A = tpu.sem_alloc : memref<!tpu.dma_semaphore, #tpu.memory_space<semaphore_mem>>
      %dma_start3A_204 = tpu.memref_slice %arg3[%add3A_203] : memref<2097152xf32, #tpu.memory_space<hbm>> -> memref<65536xf32, #tpu.memory_space<hbm>>
      %dma_start3A_205 = tpu.memref_slice %arg10[%mul3A_38] : memref<1048576xf32, #tpu.memory_space<vmem_shared>> -> memref<65536xf32, #tpu.memory_space<vmem_shared>>
      tpu.enqueue_dma source(%dma_start3A_205 : memref<65536xf32, #tpu.memory_space<vmem_shared>>) target(%dma_start3A_204 : memref<65536xf32, #tpu.memory_space<hbm>>) target_semaphore(%run_scoped3A : memref<!tpu.dma_semaphore, #tpu.memory_space<semaphore_mem>>)
      %dma_wait3A_206 = tpu.memref_slice %arg3[%add3A_203] : memref<2097152xf32, #tpu.memory_space<hbm>> -> memref<65536xf32, #tpu.memory_space<hbm>>
      %dma_wait3A_207 = tpu.memref_slice %arg10[%mul3A_38] : memref<1048576xf32, #tpu.memory_space<vmem_shared>> -> memref<65536xf32, #tpu.memory_space<vmem_shared>>
      tpu.wait_dma2 semaphore(%run_scoped3A : memref<!tpu.dma_semaphore, #tpu.memory_space<semaphore_mem>>) src(%dma_wait3A_207 : memref<65536xf32, #tpu.memory_space<vmem_shared>>) dst(%dma_wait3A_206 : memref<65536xf32, #tpu.memory_space<hbm>>)
      tpu.yield
    }) : () -> ()
    return
  }
}

module attributes {stable_mosaic.version = 14 : i64} {
  func.func @body(%arg0: i32, %arg1: memref<2x4096x128xf32, #tpu.memory_space<vmem>>, %arg2: memref<524288xf32, #tpu.memory_space<vmem>>, %arg3: memref<524288xf32, #tpu.memory_space<vmem>>) attributes {dimension_semantics = [#tpu.dimension_semantics<arbitrary>], iteration_bounds = array<i64: 2>, scalar_prefetch = 0 : i64, scratch_operands = 0 : i64, tpu.core_type = #tpu.core_type<tc>, window_params = [{transform_indices = @transform_0, window_bounds = array<i64: 2, 4096, 128>}, {transform_indices = @transform_1, window_bounds = array<i64: 524288>}, {transform_indices = @transform_2, window_bounds = array<i64: 524288>}]} {
    %get3A = arith.constant 0 : index
    %get3A_0 = arith.constant 0 : index
    %get3A_1 = arith.constant 0 : index
    %get3A_2 = vector.load %arg1[%get3A, %get3A_0, %get3A_1] : memref<2x4096x128xf32, #tpu.memory_space<vmem>>, vector<1x4096x128xf32>
    %get3A_3 = vector.shape_cast %get3A_2 : vector<1x4096x128xf32> to vector<4096x128xf32>
    %get3A_4 = arith.constant 1 : index
    %get3A_5 = arith.constant 0 : index
    %get3A_6 = arith.constant 0 : index
    %get3A_7 = vector.load %arg1[%get3A_4, %get3A_5, %get3A_6] : memref<2x4096x128xf32, #tpu.memory_space<vmem>>, vector<1x4096x128xf32>
    %get3A_8 = vector.shape_cast %get3A_7 : vector<1x4096x128xf32> to vector<4096x128xf32>
    %add3A = arith.addf %get3A_3, %get3A_8 : vector<4096x128xf32>
    %reshape3A = vector.shape_cast %add3A : vector<4096x128xf32> to vector<524288xf32>
    %get3A_9 = arith.constant 0 : index
    %get3A_10 = vector.load %arg2[%get3A_9] : memref<524288xf32, #tpu.memory_space<vmem>>, vector<524288xf32>
    %add3A_11 = arith.addf %reshape3A, %get3A_10 : vector<524288xf32>
    %swap3A = arith.constant 0 : index
    %swap3A_12 = vector.load %arg3[%swap3A] : memref<524288xf32, #tpu.memory_space<vmem>>, vector<524288xf32>
    tpu.vector_store %arg3[%swap3A], %add3A_11 {strides = array<i32>} : memref<524288xf32, #tpu.memory_space<vmem>>, vector<524288xf32>,
    return
  }
  func.func @transform_0(%arg0: i32) -> (i32, i32, i32) {
    %c0_i32 = arith.constant 0 : i32
    %c0_i32_0 = arith.constant 0 : i32
    %c0_i32_1 = arith.constant 0 : i32
    return %c0_i32, %arg0, %c0_i32_0 : i32, i32, i32
  }
  func.func @transform_1(%arg0: i32) -> i32 {
    %c0_i32 = arith.constant 0 : i32
    return %arg0 : i32
  }
  func.func @transform_2(%arg0: i32) -> i32 {
    %c0_i32 = arith.constant 0 : i32
    return %arg0 : i32
  }
}

</mosaic_0001>

<sc_bundles>
// kernel: kernel.4.cloned.1.call-start
scs
__scs_entry_jumppad:
0x0: {  	(pc) =	sbr.rel $0x88, $3  }
0x1: {  	(tag) =	ssettag $0x0;
	lr =	simm.s32 $0x1  }
0x2: {  	[smem:$0x3F9F] =	sst lr;
	_ =	strace $0xD0000000  }
0x3: {  	_ = 	snop  }
0x4: {  	_ = 	snop  }
0x5: {  	_ = 	snop  }
0x6: {  	_ = 	snop  }
0x7: {  	_ = 	snop  }
__scs_overlays_trampoline_lowered:
0x8: {  	[smem:$0x3FAE] =	sst s0  }
0x9: {  	[smem:$0x3FAF] =	sst s1  }
0xa: {  	[smem:$0x3FB0] =	sst s2  }
0xb: {  	[smem:$0x3FB1] =	sst s3  }
0xc: {  	[smem:$0x3FB2] =	sst s4  }
0xd: {  	[smem:$0x3FB3] =	sst s5  }
0xe: {  	[smem:$0x3FB4] =	sst s6  }
0xf: {  	[smem:$0x3FB5] =	sst s7  }
0x10: {  	[smem:$0x3FB6] =	sst s8  }
0x11: {  	[smem:$0x3FB7] =	sst s9;
	s0 =	simm.s32 @!p0 $0x0  }
0x12: {  	s1 =	sld [smem:$0x3F9D];
	s0 =	simm.s32 @p0 $0x1  }
0x13: {  	[smem:$0x3FB8] =	sst s0;
	s0 =	simm.s32 @!p1 $0x0  }
0x14: {  	s2 =	sld [smem:$0x3F9C];
	s0 =	simm.s32 @p1 $0x1  }
0x15: {  	[smem:$0x3FB9] =	sst s0;
	s0 =	simm.s32 @!p2 $0x0  }
0x16: {  	s3 =	sld [smem:$0x3FDB];
	s0 =	simm.s32 @p2 $0x1  }
0x17: {  	s4 =	simm.s32 $0x1BF5;
	[smem:$0x3FBB] =	sst s0  }
0x18: {  	s0 =	sld [smem:$0x3F9E];
	_ =	swait.ge [sflag:s4], $0x0  }
0x19: {  	s7 =	sld [smem:$0x3F9F]  }
0x1a: {  	s8 =	sadd.s32 $0xFFFFE003, lr  }
0x1b: {  	s9 =	sadd.s32 $0xFFFFFEF7, lr;
	s5 =	simm.s32 $0xFFFFFFFF;
	p2 =	slt.u32 s8, $0xFFFFF086  }
0x1c: {  	p1 =	slt.u32 s9, $0xF7A;
	s5 =	simm.s32 @!p2 $0x0  }
0x1d: {  	s5 =	simm.s32 @p1 $0x1;
	p0 =	seq.s32 s7, s2  }
0x1e: {  	s7 =	smul.u32 @!p0 $0xF7A, s2;
	p2 =	seq.s32 @!p0 s5, $0x0  }
0x1f: {  	s9 =	smul.u32 $0xF7A, s1;
	s8 =	simm.s32 @!p0 $0x1BF5;
	p2 =	por !p2, p0  }
0x20: {  	[sflag:s8] =	ssyncset.s32 @!p0 $0xFFFFF086;
	s6 =	sadd.s32 @!p0 s3, s7;
	s7 =	simm.s32 @!p0 $0x108  }
0x21: {  	s3 =	sadd.s32 s3, s9;
	s6 =	sadd.s32 @!p0 $0x88, s6;
	s7 =	simm.s32 @p2 $0x1082  }
0x22: {  	[simem:s7], [sflag:s8] =	dma.local @!p0 [hbm:s6], $0xF7A  }
0x23: {  	s9 =	sor.u32 $0xD0000000, s2;
	s6 =	simm.s32 $0x108;
	_ =	swait.ge @!p0 [sflag:s8], $0x0  }
0x24: {  	s3 =	sadd.s32 $0x88, s3;
	s6 =	simm.s32 @!p1 $0x1082;
	[sflag:s4] =	ssyncset.s32 $0xFFFFF086  }
0x25: {  	[simem:s6], [sflag:s4] =	dma.local [hbm:s3], $0xF7A  }
0x26: {  	[smem:$0x3F9F] =	sst s1;
	(tag) =	ssettag s2;
	_ =	strace s9  }
0x27: {  	s1 =	sld [smem:$0x3FAF]  }
0x28: {  	s2 =	sld [smem:$0x3FB0]  }
0x29: {  	s4 =	sld [smem:$0x3FB2]  }
0x2a: {  	p0 =	seq.s32 s5, $0x0;
	s5 =	sld [smem:$0x3FB3]  }
0x2b: {  	s6 =	sld [smem:$0x3FB4]  }
0x2c: {  	s7 =	sld [smem:$0x3FB5]  }
0x2d: {  	s3 =	simm.s32 $0x108;
	s8 =	sld [smem:$0x3FB6]  }
0x2e: {  	s3 =	simm.s32 @!p0 $0x1082;
	s9 =	sld [smem:$0x3FB7]  }
0x2f: {  	lr =	sadd.s32 s0, s3;
	s0 =	sld [smem:$0x3FAE]  }
0x30: {  	s3 =	sld [smem:$0x3FB1]  }
0x31: {  	[smem:$0x3FBA] =	sst s10  }
0x32: {  	s10 =	sld [smem:$0x3FB8];
	_ =	sdelay $0x3  }
0x33: {  	p0 =	seq.s32 s10, $0x1;
	s10 =	sld [smem:$0x3FBA];
	_ =	sdelay $0x3  }
0x34: {  	[smem:$0x3FBA] =	sst s10  }
0x35: {  	s10 =	sld [smem:$0x3FB9];
	_ =	sdelay $0x3  }
0x36: {  	p1 =	seq.s32 s10, $0x1;
	s10 =	sld [smem:$0x3FBA];
	_ =	sdelay $0x3  }
0x37: {  	[smem:$0x3FBA] =	sst s10  }
0x38: {  	s10 =	sld [smem:$0x3FBB]  }
0x39: {  	_ = 	snop;
	(pc) =	sbr.ind lr, $3  }
0x3a: {  	_ = 	snop  }
0x3b: {  	_ = 	snop  }
0x3c: {  	p2 =	seq.s32 s10, $0x1;
	s10 =	sld [smem:$0x3FBA]  }
0x3d: {  	_ =	shalt  }
0x3e: {  	_ =	shalt  }
0x3f: {  	_ =	shalt  }
0x40: {  	_ =	shalt  }
0x41: {  	_ =	shalt  }
0x42: {  	_ =	shalt  }
0x43: {  	_ =	shalt  }
0x44: {  	_ =	shalt  }
0x45: {  	_ =	shalt  }
0x46: {  	_ =	shalt  }
0x47: {  	_ =	shalt  }
0x48: {  	_ =	shalt  }
0x49: {  	_ =	shalt  }
0x4a: {  	_ =	shalt  }
0x4b: {  	_ =	shalt  }
0x4c: {  	_ =	shalt  }
0x4d: {  	_ =	shalt  }
0x4e: {  	_ =	shalt  }
0x4f: {  	_ =	shalt  }
0x50: {  	_ =	shalt  }
0x51: {  	_ =	shalt  }
0x52: {  	_ =	shalt  }
0x53: {  	_ =	shalt  }
0x54: {  	_ =	shalt  }
0x55: {  	_ =	shalt  }
0x56: {  	_ =	shalt  }
0x57: {  	_ =	shalt  }
0x58: {  	_ =	shalt  }
0x59: {  	_ =	shalt  }
0x5a: {  	_ =	shalt  }
0x5b: {  	_ =	shalt  }
0x5c: {  	_ =	shalt  }
0x5d: {  	_ =	shalt  }
0x5e: {  	_ =	shalt  }
0x5f: {  	_ =	shalt  }
0x60: {  	_ =	shalt  }
0x61: {  	_ =	shalt  }
0x62: {  	_ =	shalt  }
0x63: {  	_ =	shalt  }
0x64: {  	_ =	shalt  }
0x65: {  	_ =	shalt  }
0x66: {  	_ =	shalt  }
0x67: {  	_ =	shalt  }
0x68: {  	_ =	shalt  }
0x69: {  	_ =	shalt  }
0x6a: {  	_ =	shalt  }
0x6b: {  	_ =	shalt  }
0x6c: {  	_ =	shalt  }
0x6d: {  	_ =	shalt  }
0x6e: {  	_ =	shalt  }
0x6f: {  	_ =	shalt  }
0x70: {  	_ =	shalt  }
0x71: {  	_ =	shalt  }
0x72: {  	_ =	shalt  }
0x73: {  	_ =	shalt  }
0x74: {  	_ =	shalt  }
0x75: {  	_ =	shalt  }
0x76: {  	_ =	shalt  }
0x77: {  	_ =	shalt  }
0x78: {  	_ =	shalt  }
0x79: {  	_ =	shalt  }
0x7a: {  	_ =	shalt  }
0x7b: {  	_ =	shalt  }
0x7c: {  	_ =	shalt  }
0x7d: {  	_ =	shalt  }
0x7e: {  	_ =	shalt  }
0x7f: {  	_ =	shalt  }
0x80: {  	_ =	shalt  }
0x81: {  	_ =	shalt  }
0x82: {  	_ =	shalt  }
0x83: {  	_ =	shalt  }
0x84: {  	_ =	shalt  }
0x85: {  	_ =	shalt  }
0x86: {  	_ =	shalt  }
0x87: {  	_ =	shalt  }
.Lfunc_end0:
.L_simem_size_0:
called_computation_lowered:
.L_overlay_start_0:
0x88: {  	s2 =	sld [smem:$0x3FD9]  }
0x89: {  	s3 =	sld [smem:$0x3FFE];
	_ =	sdelay $0x1  }
0x8a: {  	s1 =	srdreg.scid  }
0x8b: {  	s0 =	sand.u32 $0x1, s1  }
0x8c: {  	s16 =	sshll.u32 s0, $0xA;
	s2 =	sadd.s32 s3, s2  }
0x8d: {  	s2 =	sadd.s32 s2, s16  }
0x8e: {  	[smem:$0x3FC6] =	sst s2  }
0x8f: {  	_ = 	snop  }
0x90: {  	(tm) =	ssettm $0x1  }
0x91: {  	s17 =	sld [smem:$0x3FFB];
	_ =	sdelay $0x3  }
0x92: {  	_ =	strace s17  }
0x93: {  	s2 =	sld [smem:$0x3FFC];
	_ =	sdelay $0x3  }
0x94: {  	_ =	strace s2  }
0x95: {  	s2 =	sld [smem:$0x3FFD];
	_ =	sdelay $0x3  }
0x96: {  	_ =	strace s2  }
0x97: {  	_ =	strace $0x8FFFFFFF  }
0x98: {  	s18 =	sld [smem:$0x3FDB];
	_ =	sdelay $0x1  }
0x99: {  	s19 =	simm.s32 $_scs_section_size  }
0x9a: {  	s4 =	simm.s32 $_size__tile_overlayer_lowered;
	s5 =	simm.s32 $_tile_overlayer_lowered  }
0x9b: {  	s22 =	simm.s32 $0x1BFF;
	s21 =	sshll.u32 s5, $0x1;
	s2 =	sadd.s32 s19, s18  }
0x9c: {  	s6 =	simm.s32 $0x0;
	s20 =	sshll.u32 s4, $0x1;
	s4 =	sadd.s32 s21, s2  }
0x9d: {  	[timem:s6], [sflag:s22] =	dma.local [hbm:s4], s20  }
0x9e: {  	_ =	swait.ge [sflag:s22], s20  }
0x9f: {  	s3 =	ssub.s32 $0x0, s20;
	[sflag:s22] =	ssyncset.done $0x0  }
0xa0: {  	[sflag:s22] =	ssyncadd.s32 s3;
	_ =	sdelay $0x1  }
0xa1: {  	s23 =	simm.s32 $0x1B8B  }
0xa2: {  	_ =	swait.ge [sflag:s23], $0x1  }
0xa3: {  	[sflag:s23] =	ssyncset.done $0x0  }
0xa4: {  	s25 =	simm.s32 $0x1B8E;
	s24 =	sld [smem:$0x3FFE];
	[sflag:s23] =	ssyncadd.s32 $0xFFFFFFFF  }
0xa5: {  	s26 =	simm.s32 $execute0_lowered;
	[smem:$0x3FD2] =	sst s25  }
0xa6: {  	s4 =	sshll.u32 s26, $0x1;
	_ =	strace $0x80000046;
	[dreg:$0x1] =	wrdreg $0xFFFFFFFF  }
0xa7: {  	s28 =	simm.s32 $_size_execute0_lowered;
	s2 =	sadd.s32 s2, s4;
	[dreg:$0x0] =	wrdreg $0x0  }
0xa8: {  	s4 =	sshll.u32 s28, $0x1;
	[dreg:$0x2] =	wrdreg s2  }
0xa9: {  	[dreg:$0x3] =	wrdreg s4  }
0xaa: {  	[dreg:$0x4] =	wrdreg $0xC0  }
0xab: {  	_ =	task [dreg:s6], $0x5FFFF  }
0xac: {  	[dreg:$0x1] =	wrdreg $0xFFFFFFFF  }
0xad: {  	[dreg:$0x0] =	wrdreg $0x60  }
0xae: {  	[dreg:$0x2] =	wrdreg s24  }
0xaf: {  	[dreg:$0x3] =	wrdreg $0xE8000  }
0xb0: {  	[dreg:$0x4] =	wrdreg $0x9  }
0xb1: {  	_ =	task.clear_ibuf [dreg:s6], $0x5FFFF;
	_ =	strace $0x90000046  }
0xb2: {  	s29 =	simm.s32 $0x9;
	_ =	strace $0x80000048  }
0xb3: {  	_ =	swait.ge [sflag:s29], $0x1  }
0xb4: {  	[sflag:s29] =	ssyncadd.s32 $0xFFFFFFFF  }
0xb5: {  	_ =	strace $0x90000048  }
0xb6: {  	_ =	sfence  }
0xb7: {  	s30 =	sld [smem:$0x0];
	_ =	sdelay $0x2  }
0xb8: {  	s31 =	sshll.u32 s1, $0xD;
	s1 =	sshrl.u32 s1, $0x2  }
0xb9: {  	s3 =	sand.u32 $0x4000, s31;
	s1 =	sadd.s32 s1, s30  }
0xba: {  	s0 =	sor.u32 s3, s0;
	s1 =	sshll.u32 s1, $0x11  }
0xbb: {  	s0 =	sor.u32 s1, s0  }
0xbc: {  	s0 =	sadd.s32 $0x8F2B, s0  }
0xbd: {  	[sflag:s0] =	ssyncadd.remote.s32 $0x1  }
0xbe: {  	_ =	sfence.sel $0xFFFF  }
0xbf: {  	[dreg:$0x0] =	wrdreg $0xFFFFFFFF;
	(pc) =	sbr.abs _section_cstart, $3  }
0xc0: {  	[dreg:$0x1] =	wrdreg $0xFFFFFFFF  }
0xc1: {  	_ =	task.clear_ibuf [dreg:s6], $0x2FFFF;
	_ =	strace $0x9FFFFFFF  }
0xc2: {  	(tm) =	ssettm $0x7FFFFFFF  }
0xc3: {  	_ =	shalt  }
tec
execute0_lowered:
.L_overlay_start_1:
0x0: {  	(tag) =	ssettag $0x1  }
0x1: {  	s0 =	rddreg [dreg:$0x0]  }
0x2: {  	s2 =	rddreg [dreg:$0x1];
	s1 =	srdreg.scid  }
0x3: {  	s5 =	stileid.u32;
	s3 =	simm.s32 $0x0;
	s28 =	simm.s32 $0xC800  }
0x4: {  	s29 =	simm.s32 $0x8;
	s30 =	simm.s32 $0x1;
	s31 =	simm.s32 $0xA000  }
0x5: {  	s9 =	simm.s32 $0x9;
	s10 =	simm.s32 $0x0;
	s1 =	sand.u32 $0x1, s1  }
0x6: {  	s4 =	sshll.u32 s5, $0x1;
	s5 =	sshll.u32 s5, $0x10;
	[smem:$0x7FF] =	sst s3  }
0x7: {  	s8 =	sadd.s32 $0x800, s0;
	s6 =	sshll.u32 s1, $0x14;
	s4 =	sor.u32 s1, s4  }
0x8: {  	_ =	strace $0x80000047;
	s1 =	ssub.s32 $0x2, s1;
	s7 =	smul.u32 $0x19000, s4  }
0x9: {  	s6 =	sor.u32 s5, s6;
	s4 =	smul.u32 $0x3200, s4;
	s19 =	sshrl.u32 s1, $0x1  }
0xa: {  	s6 =	sshrl.u32 s6, $0x3;
	s1 =	ssub.s32 s1, s19;
	s7 =	sshrl.u32 s7, $0x3  }
0xb: {  	s0 =	sadd.s32 s6, s0;
	s4 =	sadd.s32 s8, s4;
	s6 =	simm.s32 $0x6  }
0xc: {  	s7 =	sadd.s32 s8, s7;
	[dreg:$0x3] =	wrdreg s4;
	s8 =	sadd.s32 s5, s2  }
0xd: {  	s4 =	simm.s32 $0x4;
	s5 =	simm.s32 $0x5;
	s20 =	sadd.s32 $0x500, s7  }
0xe: {  	s21 =	sadd.s32 $0xA00, s7;
	s22 =	sadd.s32 $0xF00, s7;
	[dreg:$0x4] =	wrdreg s20  }
0xf: {  	s23 =	sadd.s32 $0x2000, s8;
	s24 =	sadd.s32 $0x4000, s8;
	[dreg:$0x5] =	wrdreg s21  }
0x10: {  	s25 =	sadd.s32 $0x6000, s8;
	s26 =	sadd.s32 $0x8000, s8;
	[dreg:$0x6] =	wrdreg s22  }
0x11: {  	s13 =	sadd.s32 $0xA000, s8;
	s14 =	sadd.s32 $0xC000, s8;
	[dreg:$0x7] =	wrdreg s23  }
0x12: {  	s15 =	sadd.s32 $0xE000, s8;
	s16 =	sadd.s32 $0x1400, s7;
	[dreg:$0x8] =	wrdreg s24  }
0x13: {  	s17 =	sadd.s32 $0x1900, s7;
	s18 =	sadd.s32 $0x1E00, s7;
	[dreg:$0x9] =	wrdreg s25  }
0x14: {  	s19 =	sadd.s32 $0x2300, s7;
	[dreg:$0xa] =	wrdreg s26;
	s20 =	sadd.s32 $0x2800, s7  }
0x15: {  	s21 =	sadd.s32 $0x2D00, s7;
	s22 =	sadd.s32 $0x64800, s0;
	s23 =	smax.u32 s1, $0x1  }
0x16: {  	s24 =	simm.s32 $0x2800;
	s25 =	simm.s32 $0x5000;
	s26 =	simm.s32 $0x7800  }
0x17: {  	v0 =	vimm.f32 $0.0e+00;
	v1 =	vimm.f32 $1.000000000e+00;
	s0 =	simm.s32 $0x2;
	s1 =	simm.s32 $0x3;
	s7 =	simm.s32 $0x7  }
.LBB2_1:
0x18: {  	s11 =	rddreg [dreg:$0x3]  }
0x19: {  	[tilespmem:s3], [sflag:$0x1] =	stream.linear.gather [hbm4b:s11+s3], $0x2800, $0x38;
	[tilespmem:$0x1E800] =	vst v63  }
0x1a: {  	s12 =	rddreg [dreg:$0x4]  }
0x1b: {  	[tilespmem:s24], [sflag:$0x2] =	stream.linear.gather [hbm4b:s12+s3], $0x2800, $0x38;
	[tilespmem:$0x1E800] =	vst v63  }
0x1c: {  	s12 =	rddreg [dreg:$0x5]  }
0x1d: {  	[tilespmem:s25], [sflag:$0x3] =	stream.linear.gather [hbm4b:s12+s3], $0x2800, $0x38;
	[tilespmem:$0x1E800] =	vst v63  }
0x1e: {  	s12 =	rddreg [dreg:$0x6]  }
0x1f: {  	[tilespmem:s26], [sflag:$0x4] =	stream.linear.gather [hbm4b:s12+s3], $0x2800, $0x38;
	[tilespmem:$0x1E800] =	vst v63  }
0x20: {  	s11 =	simm.s32 $0x40;
	s12 =	simm.s32 $0x0  }
.LBB2_2:
0x21: {  	p0 =	sne.s32 s11, $0x7FC0;
	[tilespmem:s12+$0xC800] =	vst v0;
	s12 =	smov.u32 s11;
	s11 =	sadd.s32 $0x40, s11  }
.Ltmp0:
0x22: {  	(pc) =	sbr.rel @p0 .LBB2_2-.Ltmp0, $2  }
0x23: {  	_ =	sdelay $0x2  }
0x24: {  	s12 =	sshra.s32 s12, $0x2  }
0x25: {  	[tilespmem:s12+$0xC800] =	vst v0  }
0x26: {  	[spmem:s8] =	stream.linear.scatter [tilespmem:s28], [sflag:$0x8], $0x2000, $0x38;
	[tilespmem:$0x1E800] =	vst v63  }
0x27: {  	s11 =	rddreg [dreg:$0x7]  }
0x28: {  	[spmem:s11] =	stream.linear.scatter [tilespmem:s28], [sflag:$0x8], $0x2000, $0x38;
	[tilespmem:$0x1E800] =	vst v63  }
0x29: {  	s12 =	rddreg [dreg:$0x8]  }
0x2a: {  	[spmem:s12] =	stream.linear.scatter [tilespmem:s28], [sflag:$0x8], $0x2000, $0x38;
	[tilespmem:$0x1E800] =	vst v63  }
0x2b: {  	s12 =	rddreg [dreg:$0x9]  }
0x2c: {  	[spmem:s12] =	stream.linear.scatter [tilespmem:s28], [sflag:$0x8], $0x2000, $0x38;
	[tilespmem:$0x1E800] =	vst v63  }
0x2d: {  	s12 =	rddreg [dreg:$0xa]  }
0x2e: {  	[spmem:s12] =	stream.linear.scatter [tilespmem:s28], [sflag:$0x8], $0x2000, $0x38;
	[tilespmem:$0x1E800] =	vst v63  }
0x2f: {  	_ = 	snop  }
0x30: {  	[spmem:s13] =	stream.linear.scatter [tilespmem:s28], [sflag:$0x8], $0x2000, $0x38;
	[tilespmem:$0x1E800] =	vst v63  }
0x31: {  	_ = 	snop  }
0x32: {  	[spmem:s14] =	stream.linear.scatter [tilespmem:s28], [sflag:$0x8], $0x2000, $0x38;
	[tilespmem:$0x1E800] =	vst v63  }
0x33: {  	s11 =	simm.s32 $0x40;
	s12 =	simm.s32 $0x0  }
0x34: {  	[spmem:s15] =	stream.linear.scatter [tilespmem:s28], [sflag:$0x8], $0x2000, $0x38;
	[tilespmem:$0x1E800] =	vst v63  }
.LBB2_4:
0x35: {  	p0 =	sne.s32 s11, $0x9FC0;
	[tilespmem:s12+$0xA000] =	vst v1;
	s12 =	smov.u32 s11;
	s11 =	sadd.s32 $0x40, s11  }
.Ltmp1:
0x36: {  	(pc) =	sbr.rel @p0 .LBB2_4-.Ltmp1, $2  }
0x37: {  	_ =	sdelay $0x2  }
0x38: {  	s12 =	sshra.s32 s12, $0x2  }
0x39: {  	[tilespmem:s12+$0xA000] =	vst v1  }
0x3a: {  	_ =	swait.ge [sflag:s29], $0x2000  }
0x3b: {  	[sflag:s29] =	ssyncset.done $0x0  }
0x3c: {  	[sflag:s29] =	ssyncadd.s32 $0xFFFFE000  }
0x3d: {  	_ =	swait.ge [sflag:s29], $0x2000  }
0x3e: {  	[sflag:s29] =	ssyncset.done $0x0  }
0x3f: {  	[sflag:s29] =	ssyncadd.s32 $0xFFFFE000  }
0x40: {  	_ =	swait.ge [sflag:s29], $0x2000  }
0x41: {  	[sflag:s29] =	ssyncset.done $0x0  }
0x42: {  	[sflag:s29] =	ssyncadd.s32 $0xFFFFE000  }
0x43: {  	_ =	swait.ge [sflag:s29], $0x2000  }
0x44: {  	[sflag:s29] =	ssyncset.done $0x0  }
0x45: {  	[sflag:s29] =	ssyncadd.s32 $0xFFFFE000  }
0x46: {  	_ =	swait.ge [sflag:s29], $0x2000  }
0x47: {  	[sflag:s29] =	ssyncset.done $0x0  }
0x48: {  	[sflag:s29] =	ssyncadd.s32 $0xFFFFE000  }
0x49: {  	_ =	swait.ge [sflag:s29], $0x2000  }
0x4a: {  	[sflag:s29] =	ssyncset.done $0x0  }
0x4b: {  	[sflag:s29] =	ssyncadd.s32 $0xFFFFE000  }
0x4c: {  	_ =	swait.ge [sflag:s29], $0x2000  }
0x4d: {  	[sflag:s29] =	ssyncset.done $0x0  }
0x4e: {  	[sflag:s29] =	ssyncadd.s32 $0xFFFFE000  }
0x4f: {  	_ =	swait.ge [sflag:s29], $0x2000  }
0x50: {  	[sflag:s29] =	ssyncset.done $0x0  }
0x51: {  	[sflag:s29] =	ssyncadd.s32 $0xFFFFE000  }
0x52: {  	[bflag:$0x0] =	sbarrier.arrive $0xFFFF  }
0x53: {  	_ =	swait.ge [sflag:s30], $0x2800  }
0x54: {  	[sflag:s30] =	ssyncset.done $0x0  }
0x55: {  	[sflag:s30] =	ssyncadd.s32 $0xFFFFD800  }
0x56: {  	[spmem:s2] =	stream.indirect.scatter.add.f32 [tilespmem:s31], [sflag:$0x5], $0x1, s3, s24, $0xb8;
	[tilespmem:$0x1E800] =	vst v63  }
0x57: {  	_ =	swait.ge [sflag:s0], $0x2800  }
0x58: {  	[sflag:s0] =	ssyncset.done $0x0  }
0x59: {  	[sflag:s0] =	ssyncadd.s32 $0xFFFFD800  }
0x5a: {  	[spmem:s2] =	stream.indirect.scatter.add.f32 [tilespmem:s31], [sflag:$0x6], $0x1, s24, s24, $0xb8;
	[tilespmem:$0x1E800] =	vst v63  }
0x5b: {  	_ =	swait.ge [sflag:s1], $0x2800  }
0x5c: {  	[sflag:s1] =	ssyncset.done $0x0  }
0x5d: {  	[sflag:s1] =	ssyncadd.s32 $0xFFFFD800  }
0x5e: {  	[spmem:s2] =	stream.indirect.scatter.add.f32 [tilespmem:s31], [sflag:$0x7], $0x1, s25, s24, $0xb8;
	[tilespmem:$0x1E800] =	vst v63  }
0x5f: {  	_ =	swait.ge [sflag:s4], $0x2800  }
0x60: {  	[sflag:s4] =	ssyncset.done $0x0  }
0x61: {  	[sflag:s4] =	ssyncadd.s32 $0xFFFFD800  }
0x62: {  	_ =	swait.ge [sflag:s5], $0x2800  }
0x63: {  	[sflag:s5] =	ssyncset.done $0x0  }
0x64: {  	[sflag:s5] =	ssyncadd.s32 $0xFFFFD800  }
0x65: {  	[spmem:s2] =	stream.indirect.scatter.add.f32 [tilespmem:s31], [sflag:$0x5], $0x1, s26, s24, $0xb8;
	[tilespmem:$0x1E800] =	vst v63  }
0x66: {  	_ = 	snop  }
0x67: {  	[tilespmem:s3], [sflag:$0x1] =	stream.linear.gather [hbm4b:s16+s3], $0x2800, $0x38;
	[tilespmem:$0x1E800] =	vst v63  }
0x68: {  	_ =	swait.ge [sflag:s30], $0x2800  }
0x69: {  	[sflag:s30] =	ssyncset.done $0x0  }
0x6a: {  	[sflag:s30] =	ssyncadd.s32 $0xFFFFD800  }
0x6b: {  	_ =	swait.ge [sflag:s6], $0x2800  }
0x6c: {  	[sflag:s6] =	ssyncset.done $0x0  }
0x6d: {  	[sflag:s6] =	ssyncadd.s32 $0xFFFFD800  }
0x6e: {  	[spmem:s2] =	stream.indirect.scatter.add.f32 [tilespmem:s31], [sflag:$0x6], $0x1, s3, s24, $0xb8;
	[tilespmem:$0x1E800] =	vst v63  }
0x6f: {  	_ = 	snop  }
0x70: {  	[tilespmem:s24], [sflag:$0x2] =	stream.linear.gather [hbm4b:s17+s3], $0x2800, $0x38;
	[tilespmem:$0x1E800] =	vst v63  }
0x71: {  	_ =	swait.ge [sflag:s0], $0x2800  }
0x72: {  	[sflag:s0] =	ssyncset.done $0x0  }
0x73: {  	[sflag:s0] =	ssyncadd.s32 $0xFFFFD800  }
0x74: {  	_ =	swait.ge [sflag:s7], $0x2800  }
0x75: {  	[sflag:s7] =	ssyncset.done $0x0  }
0x76: {  	[sflag:s7] =	ssyncadd.s32 $0xFFFFD800  }
0x77: {  	[spmem:s2] =	stream.indirect.scatter.add.f32 [tilespmem:s31], [sflag:$0x7], $0x1, s24, s24, $0xb8;
	[tilespmem:$0x1E800] =	vst v63  }
0x78: {  	_ = 	snop  }
0x79: {  	[tilespmem:s25], [sflag:$0x3] =	stream.linear.gather [hbm4b:s18+s3], $0x2800, $0x38;
	[tilespmem:$0x1E800] =	vst v63  }
0x7a: {  	_ =	swait.ge [sflag:s1], $0x2800  }
0x7b: {  	[sflag:s1] =	ssyncset.done $0x0  }
0x7c: {  	[sflag:s1] =	ssyncadd.s32 $0xFFFFD800  }
0x7d: {  	_ =	swait.ge [sflag:s5], $0x2800  }
0x7e: {  	[sflag:s5] =	ssyncset.done $0x0  }
0x7f: {  	[sflag:s5] =	ssyncadd.s32 $0xFFFFD800  }
0x80: {  	[spmem:s2] =	stream.indirect.scatter.add.f32 [tilespmem:s31], [sflag:$0x5], $0x1, s25, s24, $0xb8;
	[tilespmem:$0x1E800] =	vst v63  }
0x81: {  	_ = 	snop  }
0x82: {  	[tilespmem:s26], [sflag:$0x4] =	stream.linear.gather [hbm4b:s19+s3], $0x2800, $0x38;
	[tilespmem:$0x1E800] =	vst v63  }
0x83: {  	_ =	swait.ge [sflag:s4], $0x2800  }
0x84: {  	[sflag:s4] =	ssyncset.done $0x0  }
0x85: {  	[sflag:s4] =	ssyncadd.s32 $0xFFFFD800  }
0x86: {  	_ =	swait.ge [sflag:s6], $0x2800  }
0x87: {  	[sflag:s6] =	ssyncset.done $0x0  }
0x88: {  	[sflag:s6] =	ssyncadd.s32 $0xFFFFD800  }
0x89: {  	[spmem:s2] =	stream.indirect.scatter.add.f32 [tilespmem:s31], [sflag:$0x6], $0x1, s26, s24, $0xb8;
	[tilespmem:$0x1E800] =	vst v63  }
0x8a: {  	_ = 	snop  }
0x8b: {  	[tilespmem:s3], [sflag:$0x1] =	stream.linear.gather [hbm4b:s20+s3], $0x2800, $0x38;
	[tilespmem:$0x1E800] =	vst v63  }
0x8c: {  	_ =	swait.ge [sflag:s30], $0x2800  }
0x8d: {  	[sflag:s30] =	ssyncset.done $0x0  }
0x8e: {  	[sflag:s30] =	ssyncadd.s32 $0xFFFFD800  }
0x8f: {  	_ =	swait.ge [sflag:s7], $0x2800  }
0x90: {  	[sflag:s7] =	ssyncset.done $0x0  }
0x91: {  	[sflag:s7] =	ssyncadd.s32 $0xFFFFD800  }
0x92: {  	[spmem:s2] =	stream.indirect.scatter.add.f32 [tilespmem:s31], [sflag:$0x7], $0x1, s3, s24, $0xb8;
	[tilespmem:$0x1E800] =	vst v63  }
0x93: {  	_ = 	snop  }
0x94: {  	[tilespmem:s24], [sflag:$0x2] =	stream.linear.gather [hbm4b:s21+s3], $0x2800, $0x38;
	[tilespmem:$0x1E800] =	vst v63  }
0x95: {  	_ =	swait.ge [sflag:s0], $0x2800  }
0x96: {  	[sflag:s0] =	ssyncset.done $0x0  }
0x97: {  	[sflag:s0] =	ssyncadd.s32 $0xFFFFD800  }
0x98: {  	_ =	swait.ge [sflag:s5], $0x2800  }
0x99: {  	[sflag:s5] =	ssyncset.done $0x0  }
0x9a: {  	[sflag:s5] =	ssyncadd.s32 $0xFFFFD800  }
0x9b: {  	[spmem:s2] =	stream.indirect.scatter.add.f32 [tilespmem:s31], [sflag:$0x5], $0x1, s24, s24, $0xb8;
	[tilespmem:$0x1E800] =	vst v63  }
0x9c: {  	_ =	swait.ge [sflag:s6], $0x2800  }
0x9d: {  	[sflag:s6] =	ssyncset.done $0x0  }
0x9e: {  	[sflag:s6] =	ssyncadd.s32 $0xFFFFD800  }
0x9f: {  	_ =	swait.ge [sflag:s7], $0x2800  }
0xa0: {  	[sflag:s7] =	ssyncset.done $0x0  }
0xa1: {  	[sflag:s7] =	ssyncadd.s32 $0xFFFFD800  }
0xa2: {  	s11 =	stileid.u32;
	_ =	swait.ge [sflag:s5], $0x2800  }
0xa3: {  	s12 =	sshrl.u32 s8, $0x3;
	s10 =	sadd.s32 $0x1, s10;
	[sflag:s5] =	ssyncset.done $0x0  }
0xa4: {  	s11 =	sshll.u32 s11, $0x6;
	p0 =	sne.s32 s10, s23;
	[sflag:s5] =	ssyncadd.s32 $0xFFFFD800  }
.Ltmp2:
0xa5: {  	s11 =	sor.u32 $0x1C09, s11;
	[bflag:$0x0] =	sbarrier.arrive $0xFFFF;
	(pc) =	sbr.rel @p0 .LBB2_1-.Ltmp2, $4  }
0xa6: {  	[hbm:s22], [sflag:s11] =	dma.local [spmem:s12], $0x2000  }
0xa7: {  	_ =	swait.ge [sflag:s9], $0x2000  }
0xa8: {  	[sflag:s9] =	ssyncset.done $0x0  }
0xa9: {  	[sflag:s9] =	ssyncadd.s32 $0xFFFFE000  }
0xaa: {  	_ =	sfence.sel $0x180000  }
0xab: {  	[bflag:$0x0] =	sbarrier.arrive $0xFFFF  }
0xac: {  	_ =	strace $0x90000047  }
0xad: {  	s0 =	stileid.u32;
	[bflag:$0x2] =	sbarrier.arrive $0xFFFF  }
0xae: {  	p0 =	sne.s32 s0, $0x0;
	s0 =	rddreg [dreg:$0x2]  }
0xaf: {  	s0 =	sadd.s32 @!p0 $0x100000, s0  }
0xb0: {  	[sflag:s0] =	ssyncadd.tile.s32 @!p0 $0x1;
	_ =	shalt  }
.Lfunc_end2:
_tile_overlayer_lowered:
.L_overlay_start_2:
0xb1: {  	(tag) =	ssettag $0x2  }
0xb2: {  	s0 =	rddreg [dreg:$0x0];
	s2 =	stileid.u32  }
0xb3: {  	s1 =	rddreg [dreg:$0x1];
	p0 =	sne.s32 s2, $0x0  }
0xb4: {  	s3 =	rddreg [dreg:$0x2];
	[bflag:$0x3] =	sbarrier.arrive $0xFFFF;
	s2 =	simm.s32 @!p0 $0x1C09  }
0xb5: {  	[timem:s3], [sflag:s2] =	dma.local @!p0 [hbm:s0], s1  }
0xb6: {  	s0 =	simm.s32 @!p0 $0x9  }
0xb7: {  	_ =	swait.ge @!p0 [sflag:s0], s1  }
0xb8: {  	s1 =	ssub.s32 @!p0 $0x0, s1;
	[sflag:s0] =	ssyncset.done @!p0 $0x0  }
0xb9: {  	[sflag:s0] =	ssyncadd.s32 @!p0 s1  }
0xba: {  	[bflag:$0x3] =	sbarrier.arrive $0xFFFF  }
0xbb: {  	_ =	shalt  }

</sc_bundles>
